<compile_context>
chip_gen: v7x
topology: tpu7x:2x2x1
jax: 0.10.2.dev20260603
libtpu: 0.0.44.dev20260713+nightly
codegen_flags: <defaults>
</compile_context>

<pallas_src>
import functools

import jax
import jax.numpy as jnp
from jax import lax
from jax.experimental import pallas as pl
from jax.experimental.pallas import tpu as pltpu
from jax.experimental.pallas import tpu_sc as plsc

VOCAB = 256
HIDDEN = 5
CTX = 8
HPAD = 16
FPAD = CTX * HPAD
NW = 32
NCH = 2
LANES = 16


@functools.lru_cache(maxsize=None)
def _make_sc_gather(batch: int, ctx: int, half: int, nhalves: int):
    rows_w = batch // nhalves // NW
    rows_ch = rows_w // NCH
    mesh = plsc.VectorSubcoreMesh(core_axis_name="c", subcore_axis_name="s")

    @functools.partial(
        pl.kernel,
        out_type=jax.ShapeDtypeStruct((batch // nhalves, FPAD), jnp.float32),
        mesh=mesh,
        scratch_types=[
            pltpu.VMEM((rows_w, CTX), jnp.int32),
            pltpu.VMEM((VOCAB, HPAD), jnp.float32),
            pltpu.VMEM((rows_w, FPAD), jnp.float32),
            pltpu.SemaphoreType.DMA,
        ],
        compiler_params=pltpu.CompilerParams(
            use_tc_tiling_on_sc=False, needs_layout_passes=False),
    )
    def sc_gather(idx_hbm, table_hbm, out_hbm, idx_v, table_v, out_v, wsem):
        wid = lax.axis_index("s") * 2 + lax.axis_index("c")
        base = wid * rows_w
        src = half * (batch // nhalves) + base
        pltpu.sync_copy(table_hbm, table_v)
        pltpu.sync_copy(idx_hbm.at[pl.ds(src, rows_w), pl.ds(0, CTX)], idx_v)
        col = lax.iota(jnp.int32, LANES)
        writes = []
        for cb in range(NCH):
            @functools.partial(
                plsc.parallel_loop,
                cb * rows_ch * ctx, (cb + 1) * rows_ch * ctx, unroll=8)
            def body(o):
                r = lax.shift_right_logical(o, 3)
                c = lax.bitwise_and(o, 7)
                rows = plsc.load_gather(
                    idx_v, [lax.broadcast(r, (LANES,)),
                            lax.broadcast(c, (LANES,))])
                vals = plsc.load_gather(table_v, [rows, col])
                out_v[r, pl.ds(c * HPAD, HPAD)] = vals
            writes.append(pltpu.async_copy(
                out_v.at[pl.ds(cb * rows_ch, rows_ch)],
                out_hbm.at[pl.ds(base + cb * rows_ch, rows_ch)],
                wsem))
        for w in writes:
            w.wait()

    return sc_gather


def _dense_body(nsteps_half, emb1_ref, emb2_ref, w_ref, b_ref, out_ref):
    i = pl.program_id(0)

    @pl.when(i < nsteps_half)
    def _():
        out_ref[...] = lax.dot_general(
            emb1_ref[...], w_ref[...], (((1,), (1,)), ((), ())),
            preferred_element_type=jnp.float32) + b_ref[...]

    @pl.when(i >= nsteps_half)
    def _():
        out_ref[...] = lax.dot_general(
            emb2_ref[...], w_ref[...], (((1,), (1,)), ((), ())),
            preferred_element_type=jnp.float32) + b_ref[...]


def _dense(emb1, emb2, w_pad, b2d, batch: int, tile: int):
    nh = batch // 2 // tile
    return pl.pallas_call(
        functools.partial(_dense_body, nh),
        grid=(2 * nh,),
        in_specs=[
            pl.BlockSpec((tile, FPAD), lambda i: (jnp.minimum(i, nh - 1), 0)),
            pl.BlockSpec((tile, FPAD),
                         lambda i: (jnp.maximum(i - nh, 0), 0)),
            pl.BlockSpec((VOCAB, FPAD), lambda i: (0, 0)),
            pl.BlockSpec((1, VOCAB), lambda i: (0, 0)),
        ],
        out_specs=pl.BlockSpec((tile, VOCAB), lambda i: (i, 0)),
        out_shape=jax.ShapeDtypeStruct((batch, VOCAB), jnp.float32),
    )(emb1, emb2, w_pad, b2d)


def kernel(x, embed_table, fc_w, fc_b):
    batch, ctx = x.shape
    vocab, hidden = embed_table.shape

    table_pad = jnp.pad(embed_table, ((0, 0), (0, HPAD - hidden)))
    w_pad = jnp.pad(
        fc_w.reshape(vocab, ctx, hidden), ((0, 0), (0, 0), (0, HPAD - hidden))
    ).reshape(vocab, ctx * HPAD)

    idx2d = jnp.pad(x, ((0, 0), (0, 128 - ctx)))
    emb1 = _make_sc_gather(batch, ctx, 0, 2)(idx2d, table_pad)
    emb2 = _make_sc_gather(batch, ctx, 1, 2)(idx2d, table_pad)
    return _dense(emb1, emb2, w_pad, fc_b.reshape(1, vocab), batch, tile=4096)

# --- scband reference (transcript-rebuilt; emitter-appended) ---
"""Pipeline reference for scband-my-nn-83640193122395 (READ-ONLY COPY).

The authoritative reference and input builder live on the scoring server;
editing this copy changes nothing except your own understanding.
"""

import jax, jax.numpy as jnp
import numpy as np

VOCAB = 256
HIDDEN = 5
CTX = 8
BATCH = 16384

def setup_inputs(seed: int = 0) -> dict:
    key = jax.random.key(seed)
    k1, k2, k3, k4 = jax.random.split(key, 4)
    x = jax.random.randint(k1, (BATCH, CTX), 0, VOCAB, dtype=jnp.int64 if jax.config.jax_enable_x64 else jnp.int32).astype(jnp.int32)
    embed_table = jax.random.normal(k2, (VOCAB, HIDDEN), dtype=jnp.float32)
    fan_in = HIDDEN * CTX
    bound = 1.0 / np.sqrt(fan_in)
    fc_w = jax.random.uniform(k3, (VOCAB, fan_in), dtype=jnp.float32, minval=-bound, maxval=bound)
    fc_b = jax.random.uniform(k4, (VOCAB,), dtype=jnp.float32, minval=-bound, maxval=bound)
    return {"x": x, "embed_table": embed_table, "fc_w": fc_w, "fc_b": fc_b}

def reference(x, embed_table, fc_w, fc_b):
    # embedding lookup (gather)
    emb = jnp.take(embed_table, x, axis=0)          # [B, CTX, HIDDEN]
    flat = emb.reshape(emb.shape[0], -1)             # [B, CTX*HIDDEN]
    out = flat @ fc_w.T + fc_b                       # [B, VOCAB]
    return out

if __name__ == "__main__":
    import jax
    _d = setup_inputs()
    print(jax.jit(kernel)(*tuple(_d.values())))

</pallas_src>

<mosaic_0001>
#map = affine_map<(d0, d1) -> (0, 0)>
module attributes {stable_mosaic.version = 14 : i64} {
  func.func @sc_gather(%arg0: i32, %arg1: i32, %arg2: memref<16384x128xi32, #tpu.memory_space<hbm>>, %arg3: memref<256x16xf32, #tpu.memory_space<hbm>>, %arg4: memref<8192x128xf32, #tpu.memory_space<hbm>>, %arg5: memref<256x8xi32, #tpu.memory_space<vmem>>, %arg6: memref<256x16xf32, #tpu.memory_space<vmem>>, %arg7: memref<256x128xf32, #tpu.memory_space<vmem>>, %arg8: memref<!tpu.dma_semaphore, #tpu.memory_space<semaphore_mem>>) attributes {dimension_semantics = [#tpu.dimension_semantics<core_parallel>, #tpu.dimension_semantics<subcore_parallel>], iteration_bounds = array<i64: 2, 16>, scalar_prefetch = 0 : i64, scratch_operands = 4 : i64, tpu.core_type = #tpu.core_type<sc_vector_subcore>, window_params = [{transform_indices = #map}, {transform_indices = #map}, {transform_indices = #map}]} {
    %mul3A = arith.constant 2 : i32
    %mul3A_0 = arith.muli %arg1, %mul3A : i32
    %add3A = arith.addi %mul3A_0, %arg0 : i32
    %mul3A_1 = arith.constant 256 : i32
    %mul3A_2 = arith.muli %add3A, %mul3A_1 : i32
    %add3A_3 = arith.constant 0 : i32
    %add3A_4 = arith.addi %add3A_3, %mul3A_2 : i32
    "tpu.region"() ({
      %run_scoped3A = tpu.sem_alloc : memref<!tpu.dma_semaphore, #tpu.memory_space<semaphore_mem>>
      tpu.enqueue_dma source(%arg3 : memref<256x16xf32, #tpu.memory_space<hbm>>) target(%arg6 : memref<256x16xf32, #tpu.memory_space<vmem>>) target_semaphore(%run_scoped3A : memref<!tpu.dma_semaphore, #tpu.memory_space<semaphore_mem>>)
      tpu.wait_dma2 semaphore(%run_scoped3A : memref<!tpu.dma_semaphore, #tpu.memory_space<semaphore_mem>>) src(%arg3 : memref<256x16xf32, #tpu.memory_space<hbm>>) dst(%arg6 : memref<256x16xf32, #tpu.memory_space<vmem>>)
      tpu.yield
    }) : () -> ()
    "tpu.region"() ({
      %run_scoped3A = tpu.sem_alloc : memref<!tpu.dma_semaphore, #tpu.memory_space<semaphore_mem>>
      %dma_start3A_47 = arith.constant 0 : i32
      %dma_start3A_48 = tpu.memref_slice %arg2[%add3A_4, %dma_start3A_47] : memref<16384x128xi32, #tpu.memory_space<hbm>> -> memref<256x8xi32, #tpu.memory_space<hbm>>
      %dma_start3A_49 = arith.constant 0 : i32
      %dma_start3A_50 = tpu.memref_slice %arg2[%add3A_4, %dma_start3A_49] : memref<16384x128xi32, #tpu.memory_space<hbm>> -> memref<256x8xi32, #tpu.memory_space<hbm>>
      tpu.enqueue_dma source(%dma_start3A_50 : memref<256x8xi32, #tpu.memory_space<hbm>>) target(%arg5 : memref<256x8xi32, #tpu.memory_space<vmem>>) target_semaphore(%run_scoped3A : memref<!tpu.dma_semaphore, #tpu.memory_space<semaphore_mem>>)
      %dma_wait3A_51 = arith.constant 0 : i32
      %dma_wait3A_52 = tpu.memref_slice %arg2[%add3A_4, %dma_wait3A_51] : memref<16384x128xi32, #tpu.memory_space<hbm>> -> memref<256x8xi32, #tpu.memory_space<hbm>>
      %dma_wait3A_53 = arith.constant 0 : i32
      %dma_wait3A_54 = tpu.memref_slice %arg2[%add3A_4, %dma_wait3A_53] : memref<16384x128xi32, #tpu.memory_space<hbm>> -> memref<256x8xi32, #tpu.memory_space<hbm>>
      tpu.wait_dma2 semaphore(%run_scoped3A : memref<!tpu.dma_semaphore, #tpu.memory_space<semaphore_mem>>) src(%dma_wait3A_54 : memref<256x8xi32, #tpu.memory_space<hbm>>) dst(%arg5 : memref<256x8xi32, #tpu.memory_space<vmem>>)
      tpu.yield
    }) : () -> ()
    %iota3A = tpu.iota {dimensions = array<i32: 0>} : vector<16xi32>
    %add3A_5 = arith.constant 0 : i32
    %add3A_6 = arith.addi %mul3A_2, %add3A_5 : i32
    %dma_start3A = arith.constant 0 : i32
    %dma_start3A_7 = arith.constant 0 : i32
    %dma_start3A_8 = tpu.memref_slice %arg7[%dma_start3A, %dma_start3A_7] : memref<256x128xf32, #tpu.memory_space<vmem>> -> memref<128x128xf32, #tpu.memory_space<vmem>>
    %dma_start3A_9 = arith.constant 0 : i32
    %dma_start3A_10 = tpu.memref_slice %arg4[%add3A_6, %dma_start3A_9] : memref<8192x128xf32, #tpu.memory_space<hbm>> -> memref<128x128xf32, #tpu.memory_space<hbm>>
    %dma_start3A_11 = arith.constant 0 : i32
    %dma_start3A_12 = tpu.memref_slice %arg4[%add3A_6, %dma_start3A_11] : memref<8192x128xf32, #tpu.memory_space<hbm>> -> memref<128x128xf32, #tpu.memory_space<hbm>>
    %dma_start3A_13 = arith.constant 0 : i32
    %dma_start3A_14 = arith.constant 0 : i32
    %dma_start3A_15 = tpu.memref_slice %arg7[%dma_start3A_13, %dma_start3A_14] : memref<256x128xf32, #tpu.memory_space<vmem>> -> memref<128x128xf32, #tpu.memory_space<vmem>>
    tpu.enqueue_dma source(%dma_start3A_15 : memref<128x128xf32, #tpu.memory_space<vmem>>) target(%dma_start3A_12 : memref<128x128xf32, #tpu.memory_space<hbm>>) target_semaphore(%arg8 : memref<!tpu.dma_semaphore, #tpu.memory_space<semaphore_mem>>)
    %add3A_16 = arith.constant 128 : i32
    %add3A_17 = arith.addi %mul3A_2, %add3A_16 : i32
    %dma_start3A_18 = arith.constant 128 : i32
    %dma_start3A_19 = arith.constant 0 : i32
    %dma_start3A_20 = tpu.memref_slice %arg7[%dma_start3A_18, %dma_start3A_19] : memref<256x128xf32, #tpu.memory_space<vmem>> -> memref<128x128xf32, #tpu.memory_space<vmem>>
    %dma_start3A_21 = arith.constant 0 : i32
    %dma_start3A_22 = tpu.memref_slice %arg4[%add3A_17, %dma_start3A_21] : memref<8192x128xf32, #tpu.memory_space<hbm>> -> memref<128x128xf32, #tpu.memory_space<hbm>>
    %dma_start3A_23 = arith.constant 0 : i32
    %dma_start3A_24 = tpu.memref_slice %arg4[%add3A_17, %dma_start3A_23] : memref<8192x128xf32, #tpu.memory_space<hbm>> -> memref<128x128xf32, #tpu.memory_space<hbm>>
    %dma_start3A_25 = arith.constant 128 : i32
    %dma_start3A_26 = arith.constant 0 : i32
    %dma_start3A_27 = tpu.memref_slice %arg7[%dma_start3A_25, %dma_start3A_26] : memref<256x128xf32, #tpu.memory_space<vmem>> -> memref<128x128xf32, #tpu.memory_space<vmem>>
    tpu.enqueue_dma source(%dma_start3A_27 : memref<128x128xf32, #tpu.memory_space<vmem>>) target(%dma_start3A_24 : memref<128x128xf32, #tpu.memory_space<hbm>>) target_semaphore(%arg8 : memref<!tpu.dma_semaphore, #tpu.memory_space<semaphore_mem>>)
    %dma_wait3A = arith.constant 0 : i32
    %dma_wait3A_28 = arith.constant 0 : i32
    %dma_wait3A_29 = tpu.memref_slice %arg7[%dma_wait3A, %dma_wait3A_28] : memref<256x128xf32, #tpu.memory_space<vmem>> -> memref<128x128xf32, #tpu.memory_space<vmem>>
    %dma_wait3A_30 = arith.constant 0 : i32
    %dma_wait3A_31 = tpu.memref_slice %arg4[%add3A_6, %dma_wait3A_30] : memref<8192x128xf32, #tpu.memory_space<hbm>> -> memref<128x128xf32, #tpu.memory_space<hbm>>
    %dma_wait3A_32 = arith.constant 0 : i32
    %dma_wait3A_33 = tpu.memref_slice %arg4[%add3A_6, %dma_wait3A_32] : memref<8192x128xf32, #tpu.memory_space<hbm>> -> memref<128x128xf32, #tpu.memory_space<hbm>>
    %dma_wait3A_34 = arith.constant 0 : i32
    %dma_wait3A_35 = arith.constant 0 : i32
    %dma_wait3A_36 = tpu.memref_slice %arg7[%dma_wait3A_34, %dma_wait3A_35] : memref<256x128xf32, #tpu.memory_space<vmem>> -> memref<128x128xf32, #tpu.memory_space<vmem>>
    tpu.wait_dma2 semaphore(%arg8 : memref<!tpu.dma_semaphore, #tpu.memory_space<semaphore_mem>>) src(%dma_wait3A_36 : memref<128x128xf32, #tpu.memory_space<vmem>>) dst(%dma_wait3A_33 : memref<128x128xf32, #tpu.memory_space<hbm>>)
    %dma_wait3A_37 = arith.constant 128 : i32
    %dma_wait3A_38 = arith.constant 0 : i32
    %dma_wait3A_39 = tpu.memref_slice %arg7[%dma_wait3A_37, %dma_wait3A_38] : memref<256x128xf32, #tpu.memory_space<vmem>> -> memref<128x128xf32, #tpu.memory_space<vmem>>
    %dma_wait3A_40 = arith.constant 0 : i32
    %dma_wait3A_41 = tpu.memref_slice %arg4[%add3A_17, %dma_wait3A_40] : memref<8192x128xf32, #tpu.memory_space<hbm>> -> memref<128x128xf32, #tpu.memory_space<hbm>>
    %dma_wait3A_42 = arith.constant 0 : i32
    %dma_wait3A_43 = tpu.memref_slice %arg4[%add3A_17, %dma_wait3A_42] : memref<8192x128xf32, #tpu.memory_space<hbm>> -> memref<128x128xf32, #tpu.memory_space<hbm>>
    %dma_wait3A_44 = arith.constant 128 : i32
    %dma_wait3A_45 = arith.constant 0 : i32
    %dma_wait3A_46 = tpu.memref_slice %arg7[%dma_wait3A_44, %dma_wait3A_45] : memref<256x128xf32, #tpu.memory_space<vmem>> -> memref<128x128xf32, #tpu.memory_space<vmem>>
    tpu.wait_dma2 semaphore(%arg8 : memref<!tpu.dma_semaphore, #tpu.memory_space<semaphore_mem>>) src(%dma_wait3A_46 : memref<128x128xf32, #tpu.memory_space<vmem>>) dst(%dma_wait3A_43 : memref<128x128xf32, #tpu.memory_space<hbm>>)
    return
  }
}

#map = affine_map<(d0, d1) -> (0, 0)>
module attributes {stable_mosaic.version = 14 : i64} {
  func.func @sc_gather(%arg0: i32, %arg1: i32, %arg2: memref<16384x128xi32, #tpu.memory_space<hbm>>, %arg3: memref<256x16xf32, #tpu.memory_space<hbm>>, %arg4: memref<8192x128xf32, #tpu.memory_space<hbm>>, %arg5: memref<256x8xi32, #tpu.memory_space<vmem>>, %arg6: memref<256x16xf32, #tpu.memory_space<vmem>>, %arg7: memref<256x128xf32, #tpu.memory_space<vmem>>, %arg8: memref<!tpu.dma_semaphore, #tpu.memory_space<semaphore_mem>>) attributes {dimension_semantics = [#tpu.dimension_semantics<core_parallel>, #tpu.dimension_semantics<subcore_parallel>], iteration_bounds = array<i64: 2, 16>, scalar_prefetch = 0 : i64, scratch_operands = 4 : i64, tpu.core_type = #tpu.core_type<sc_vector_subcore>, window_params = [{transform_indices = #map}, {transform_indices = #map}, {transform_indices = #map}]} {
    %mul3A = arith.constant 2 : i32
    %mul3A_0 = arith.muli %arg1, %mul3A : i32
    %add3A = arith.addi %mul3A_0, %arg0 : i32
    %mul3A_1 = arith.constant 256 : i32
    %mul3A_2 = arith.muli %add3A, %mul3A_1 : i32
    %add3A_3 = arith.constant 8192 : i32
    %add3A_4 = arith.addi %add3A_3, %mul3A_2 : i32
    "tpu.region"() ({
      %run_scoped3A = tpu.sem_alloc : memref<!tpu.dma_semaphore, #tpu.memory_space<semaphore_mem>>
      tpu.enqueue_dma source(%arg3 : memref<256x16xf32, #tpu.memory_space<hbm>>) target(%arg6 : memref<256x16xf32, #tpu.memory_space<vmem>>) target_semaphore(%run_scoped3A : memref<!tpu.dma_semaphore, #tpu.memory_space<semaphore_mem>>)
      tpu.wait_dma2 semaphore(%run_scoped3A : memref<!tpu.dma_semaphore, #tpu.memory_space<semaphore_mem>>) src(%arg3 : memref<256x16xf32, #tpu.memory_space<hbm>>) dst(%arg6 : memref<256x16xf32, #tpu.memory_space<vmem>>)
      tpu.yield
    }) : () -> ()
    "tpu.region"() ({
      %run_scoped3A = tpu.sem_alloc : memref<!tpu.dma_semaphore, #tpu.memory_space<semaphore_mem>>
      %dma_start3A_47 = arith.constant 0 : i32
      %dma_start3A_48 = tpu.memref_slice %arg2[%add3A_4, %dma_start3A_47] : memref<16384x128xi32, #tpu.memory_space<hbm>> -> memref<256x8xi32, #tpu.memory_space<hbm>>
      %dma_start3A_49 = arith.constant 0 : i32
      %dma_start3A_50 = tpu.memref_slice %arg2[%add3A_4, %dma_start3A_49] : memref<16384x128xi32, #tpu.memory_space<hbm>> -> memref<256x8xi32, #tpu.memory_space<hbm>>
      tpu.enqueue_dma source(%dma_start3A_50 : memref<256x8xi32, #tpu.memory_space<hbm>>) target(%arg5 : memref<256x8xi32, #tpu.memory_space<vmem>>) target_semaphore(%run_scoped3A : memref<!tpu.dma_semaphore, #tpu.memory_space<semaphore_mem>>)
      %dma_wait3A_51 = arith.constant 0 : i32
      %dma_wait3A_52 = tpu.memref_slice %arg2[%add3A_4, %dma_wait3A_51] : memref<16384x128xi32, #tpu.memory_space<hbm>> -> memref<256x8xi32, #tpu.memory_space<hbm>>
      %dma_wait3A_53 = arith.constant 0 : i32
      %dma_wait3A_54 = tpu.memref_slice %arg2[%add3A_4, %dma_wait3A_53] : memref<16384x128xi32, #tpu.memory_space<hbm>> -> memref<256x8xi32, #tpu.memory_space<hbm>>
      tpu.wait_dma2 semaphore(%run_scoped3A : memref<!tpu.dma_semaphore, #tpu.memory_space<semaphore_mem>>) src(%dma_wait3A_54 : memref<256x8xi32, #tpu.memory_space<hbm>>) dst(%arg5 : memref<256x8xi32, #tpu.memory_space<vmem>>)
      tpu.yield
    }) : () -> ()
    %iota3A = tpu.iota {dimensions = array<i32: 0>} : vector<16xi32>
    %add3A_5 = arith.constant 0 : i32
    %add3A_6 = arith.addi %mul3A_2, %add3A_5 : i32
    %dma_start3A = arith.constant 0 : i32
    %dma_start3A_7 = arith.constant 0 : i32
    %dma_start3A_8 = tpu.memref_slice %arg7[%dma_start3A, %dma_start3A_7] : memref<256x128xf32, #tpu.memory_space<vmem>> -> memref<128x128xf32, #tpu.memory_space<vmem>>
    %dma_start3A_9 = arith.constant 0 : i32
    %dma_start3A_10 = tpu.memref_slice %arg4[%add3A_6, %dma_start3A_9] : memref<8192x128xf32, #tpu.memory_space<hbm>> -> memref<128x128xf32, #tpu.memory_space<hbm>>
    %dma_start3A_11 = arith.constant 0 : i32
    %dma_start3A_12 = tpu.memref_slice %arg4[%add3A_6, %dma_start3A_11] : memref<8192x128xf32, #tpu.memory_space<hbm>> -> memref<128x128xf32, #tpu.memory_space<hbm>>
    %dma_start3A_13 = arith.constant 0 : i32
    %dma_start3A_14 = arith.constant 0 : i32
    %dma_start3A_15 = tpu.memref_slice %arg7[%dma_start3A_13, %dma_start3A_14] : memref<256x128xf32, #tpu.memory_space<vmem>> -> memref<128x128xf32, #tpu.memory_space<vmem>>
    tpu.enqueue_dma source(%dma_start3A_15 : memref<128x128xf32, #tpu.memory_space<vmem>>) target(%dma_start3A_12 : memref<128x128xf32, #tpu.memory_space<hbm>>) target_semaphore(%arg8 : memref<!tpu.dma_semaphore, #tpu.memory_space<semaphore_mem>>)
    %add3A_16 = arith.constant 128 : i32
    %add3A_17 = arith.addi %mul3A_2, %add3A_16 : i32
    %dma_start3A_18 = arith.constant 128 : i32
    %dma_start3A_19 = arith.constant 0 : i32
    %dma_start3A_20 = tpu.memref_slice %arg7[%dma_start3A_18, %dma_start3A_19] : memref<256x128xf32, #tpu.memory_space<vmem>> -> memref<128x128xf32, #tpu.memory_space<vmem>>
    %dma_start3A_21 = arith.constant 0 : i32
    %dma_start3A_22 = tpu.memref_slice %arg4[%add3A_17, %dma_start3A_21] : memref<8192x128xf32, #tpu.memory_space<hbm>> -> memref<128x128xf32, #tpu.memory_space<hbm>>
    %dma_start3A_23 = arith.constant 0 : i32
    %dma_start3A_24 = tpu.memref_slice %arg4[%add3A_17, %dma_start3A_23] : memref<8192x128xf32, #tpu.memory_space<hbm>> -> memref<128x128xf32, #tpu.memory_space<hbm>>
    %dma_start3A_25 = arith.constant 128 : i32
    %dma_start3A_26 = arith.constant 0 : i32
    %dma_start3A_27 = tpu.memref_slice %arg7[%dma_start3A_25, %dma_start3A_26] : memref<256x128xf32, #tpu.memory_space<vmem>> -> memref<128x128xf32, #tpu.memory_space<vmem>>
    tpu.enqueue_dma source(%dma_start3A_27 : memref<128x128xf32, #tpu.memory_space<vmem>>) target(%dma_start3A_24 : memref<128x128xf32, #tpu.memory_space<hbm>>) target_semaphore(%arg8 : memref<!tpu.dma_semaphore, #tpu.memory_space<semaphore_mem>>)
    %dma_wait3A = arith.constant 0 : i32
    %dma_wait3A_28 = arith.constant 0 : i32
    %dma_wait3A_29 = tpu.memref_slice %arg7[%dma_wait3A, %dma_wait3A_28] : memref<256x128xf32, #tpu.memory_space<vmem>> -> memref<128x128xf32, #tpu.memory_space<vmem>>
    %dma_wait3A_30 = arith.constant 0 : i32
    %dma_wait3A_31 = tpu.memref_slice %arg4[%add3A_6, %dma_wait3A_30] : memref<8192x128xf32, #tpu.memory_space<hbm>> -> memref<128x128xf32, #tpu.memory_space<hbm>>
    %dma_wait3A_32 = arith.constant 0 : i32
    %dma_wait3A_33 = tpu.memref_slice %arg4[%add3A_6, %dma_wait3A_32] : memref<8192x128xf32, #tpu.memory_space<hbm>> -> memref<128x128xf32, #tpu.memory_space<hbm>>
    %dma_wait3A_34 = arith.constant 0 : i32
    %dma_wait3A_35 = arith.constant 0 : i32
    %dma_wait3A_36 = tpu.memref_slice %arg7[%dma_wait3A_34, %dma_wait3A_35] : memref<256x128xf32, #tpu.memory_space<vmem>> -> memref<128x128xf32, #tpu.memory_space<vmem>>
    tpu.wait_dma2 semaphore(%arg8 : memref<!tpu.dma_semaphore, #tpu.memory_space<semaphore_mem>>) src(%dma_wait3A_36 : memref<128x128xf32, #tpu.memory_space<vmem>>) dst(%dma_wait3A_33 : memref<128x128xf32, #tpu.memory_space<hbm>>)
    %dma_wait3A_37 = arith.constant 128 : i32
    %dma_wait3A_38 = arith.constant 0 : i32
    %dma_wait3A_39 = tpu.memref_slice %arg7[%dma_wait3A_37, %dma_wait3A_38] : memref<256x128xf32, #tpu.memory_space<vmem>> -> memref<128x128xf32, #tpu.memory_space<vmem>>
    %dma_wait3A_40 = arith.constant 0 : i32
    %dma_wait3A_41 = tpu.memref_slice %arg4[%add3A_17, %dma_wait3A_40] : memref<8192x128xf32, #tpu.memory_space<hbm>> -> memref<128x128xf32, #tpu.memory_space<hbm>>
    %dma_wait3A_42 = arith.constant 0 : i32
    %dma_wait3A_43 = tpu.memref_slice %arg4[%add3A_17, %dma_wait3A_42] : memref<8192x128xf32, #tpu.memory_space<hbm>> -> memref<128x128xf32, #tpu.memory_space<hbm>>
    %dma_wait3A_44 = arith.constant 128 : i32
    %dma_wait3A_45 = arith.constant 0 : i32
    %dma_wait3A_46 = tpu.memref_slice %arg7[%dma_wait3A_44, %dma_wait3A_45] : memref<256x128xf32, #tpu.memory_space<vmem>> -> memref<128x128xf32, #tpu.memory_space<vmem>>
    tpu.wait_dma2 semaphore(%arg8 : memref<!tpu.dma_semaphore, #tpu.memory_space<semaphore_mem>>) src(%dma_wait3A_46 : memref<128x128xf32, #tpu.memory_space<vmem>>) dst(%dma_wait3A_43 : memref<128x128xf32, #tpu.memory_space<hbm>>)
    return
  }
}

module attributes {stable_mosaic.version = 14 : i64} {
  func.func @_dense_body(%arg0: i32, %arg1: memref<4096x128xf32, #tpu.memory_space<vmem>>, %arg2: memref<4096x128xf32, #tpu.memory_space<vmem>>, %arg3: memref<256x128xf32, #tpu.memory_space<vmem>>, %arg4: memref<1x256xf32, #tpu.memory_space<vmem>>, %arg5: memref<4096x256xf32, #tpu.memory_space<vmem>>) attributes {dimension_semantics = [#tpu.dimension_semantics<arbitrary>], iteration_bounds = array<i64: 4>, scalar_prefetch = 0 : i64, scratch_operands = 0 : i64, tpu.core_type = #tpu.core_type<tc>, window_params = [{transform_indices = @transform_0, window_bounds = array<i64: 4096, 128>}, {transform_indices = @transform_1, window_bounds = array<i64: 4096, 128>}, {pipeline_mode = #tpu.pipeline_mode<synchronous>, transform_indices = @transform_2, window_bounds = array<i64: 256, 128>}, {pipeline_mode = #tpu.pipeline_mode<synchronous>, transform_indices = @transform_3, window_bounds = array<i64: 1, 256>}, {transform_indices = @transform_4, window_bounds = array<i64: 4096, 256>}]} {
    %lt3A = arith.constant 2 : i32
    %lt3A_0 = arith.cmpi slt, %arg0, %lt3A : i32
    %convert_element_type3A = arith.extui %lt3A_0 : i1 to i32
    %cond3A = arith.constant 0 : i32
    %cond3A_1 = arith.cmpi ne, %convert_element_type3A, %cond3A : i32
    scf.if %cond3A_1 {
      %get3A = arith.constant 0 : index
      %get3A_6 = arith.constant 0 : index
      %get3A_7 = vector.load %arg1[%get3A, %get3A_6] : memref<4096x128xf32, #tpu.memory_space<vmem>>, vector<4096x128xf32>
      %get3A_8 = arith.constant 0 : index
      %get3A_9 = arith.constant 0 : index
      %get3A_10 = vector.load %arg3[%get3A_8, %get3A_9] : memref<256x128xf32, #tpu.memory_space<vmem>>, vector<256x128xf32>
      %dot_general3A = arith.constant dense<0.000000e+00> : vector<4096x256xf32>
      %dot_general3A_11 = tpu.matmul %get3A_7, %get3A_10, %dot_general3A {dimension_numbers = #tpu.dot_dimension_numbers<[1], [1], [0], [0], [0, 0, 1, 0], [], []>, transpose_lhs_hint = false} : vector<4096x128xf32>, vector<256x128xf32>, vector<4096x256xf32> -> vector<4096x256xf32>
      %get3A_12 = arith.constant 0 : index
      %get3A_13 = arith.constant 0 : index
      %get3A_14 = vector.load %arg4[%get3A_12, %get3A_13] : memref<1x256xf32, #tpu.memory_space<vmem>>, vector<1x256xf32>
      %add3A = vector.broadcast %get3A_14 : vector<1x256xf32> to vector<4096x256xf32>
      %add3A_15 = arith.addf %dot_general3A_11, %add3A : vector<4096x256xf32>
      %swap3A = arith.constant 0 : index
      %swap3A_16 = arith.constant 0 : index
      %swap3A_17 = vector.load %arg5[%swap3A, %swap3A_16] : memref<4096x256xf32, #tpu.memory_space<vmem>>, vector<4096x256xf32>
      tpu.vector_store %arg5[%swap3A, %swap3A_16], %add3A_15 {strides = array<i32>} : memref<4096x256xf32, #tpu.memory_space<vmem>>, vector<4096x256xf32>,
    } else {
    }
    %ge3A = arith.constant 2 : i32
    %ge3A_2 = arith.cmpi sge, %arg0, %ge3A : i32
    %convert_element_type3A_3 = arith.extui %ge3A_2 : i1 to i32
    %cond3A_4 = arith.constant 0 : i32
    %cond3A_5 = arith.cmpi ne, %convert_element_type3A_3, %cond3A_4 : i32
    scf.if %cond3A_5 {
      %get3A = arith.constant 0 : index
      %get3A_6 = arith.constant 0 : index
      %get3A_7 = vector.load %arg2[%get3A, %get3A_6] : memref<4096x128xf32, #tpu.memory_space<vmem>>, vector<4096x128xf32>
      %get3A_8 = arith.constant 0 : index
      %get3A_9 = arith.constant 0 : index
      %get3A_10 = vector.load %arg3[%get3A_8, %get3A_9] : memref<256x128xf32, #tpu.memory_space<vmem>>, vector<256x128xf32>
      %dot_general3A = arith.constant dense<0.000000e+00> : vector<4096x256xf32>
      %dot_general3A_11 = tpu.matmul %get3A_7, %get3A_10, %dot_general3A {dimension_numbers = #tpu.dot_dimension_numbers<[1], [1], [0], [0], [0, 0, 1, 0], [], []>, transpose_lhs_hint = false} : vector<4096x128xf32>, vector<256x128xf32>, vector<4096x256xf32> -> vector<4096x256xf32>
      %get3A_12 = arith.constant 0 : index
      %get3A_13 = arith.constant 0 : index
      %get3A_14 = vector.load %arg4[%get3A_12, %get3A_13] : memref<1x256xf32, #tpu.memory_space<vmem>>, vector<1x256xf32>
      %add3A = vector.broadcast %get3A_14 : vector<1x256xf32> to vector<4096x256xf32>
      %add3A_15 = arith.addf %dot_general3A_11, %add3A : vector<4096x256xf32>
      %swap3A = arith.constant 0 : index
      %swap3A_16 = arith.constant 0 : index
      %swap3A_17 = vector.load %arg5[%swap3A, %swap3A_16] : memref<4096x256xf32, #tpu.memory_space<vmem>>, vector<4096x256xf32>
      tpu.vector_store %arg5[%swap3A, %swap3A_16], %add3A_15 {strides = array<i32>} : memref<4096x256xf32, #tpu.memory_space<vmem>>, vector<4096x256xf32>,
    } else {
    }
    return
  }
  func.func @transform_0(%arg0: i32) -> (i32, i32) {
    %min3A = arith.constant 1 : i32
    %min3A_0 = arith.minsi %arg0, %min3A : i32
    %c0_i32 = arith.constant 0 : i32
    %c0_i32_1 = arith.constant 0 : i32
    return %min3A_0, %c0_i32 : i32, i32
  }
  func.func @transform_1(%arg0: i32) -> (i32, i32) {
    %sub3A = arith.constant 2 : i32
    %sub3A_0 = arith.subi %arg0, %sub3A : i32
    %max3A = arith.constant 0 : i32
    %max3A_1 = arith.maxsi %sub3A_0, %max3A : i32
    %c0_i32 = arith.constant 0 : i32
    %c0_i32_2 = arith.constant 0 : i32
    return %max3A_1, %c0_i32 : i32, i32
  }
  func.func @transform_2(%arg0: i32) -> (i32, i32) {
    %c0_i32 = arith.constant 0 : i32
    %c0_i32_0 = arith.constant 0 : i32
    %c0_i32_1 = arith.constant 0 : i32
    return %c0_i32, %c0_i32_0 : i32, i32
  }
  func.func @transform_3(%arg0: i32) -> (i32, i32) {
    %c0_i32 = arith.constant 0 : i32
    %c0_i32_0 = arith.constant 0 : i32
    %c0_i32_1 = arith.constant 0 : i32
    return %c0_i32, %c0_i32_0 : i32, i32
  }
  func.func @transform_4(%arg0: i32) -> (i32, i32) {
    %c0_i32 = arith.constant 0 : i32
    %c0_i32_0 = arith.constant 0 : i32
    return %arg0, %c0_i32 : i32, i32
  }
}

</mosaic_0001>

<sc_bundles>
// kernel: kernel.5.cloned.1.call-start
scs
__scs_entry_jumppad:
0x0: {  	(pc) =	sbr.rel $0x88, $3  }
0x1: {  	(tag) =	ssettag $0x0;
	lr =	simm.s32 $0x1  }
0x2: {  	[smem:$0x3F9D] =	sst lr;
	_ =	strace $0xD0000000  }
0x3: {  	_ = 	snop  }
0x4: {  	_ = 	snop  }
0x5: {  	_ = 	snop  }
0x6: {  	_ = 	snop  }
0x7: {  	_ = 	snop  }
__scs_overlays_trampoline_lowered:
0x8: {  	[smem:$0x3FAC] =	sst s0  }
0x9: {  	[smem:$0x3FAD] =	sst s1  }
0xa: {  	[smem:$0x3FAE] =	sst s2  }
0xb: {  	[smem:$0x3FAF] =	sst s3  }
0xc: {  	[smem:$0x3FB0] =	sst s4  }
0xd: {  	[smem:$0x3FB1] =	sst s5  }
0xe: {  	[smem:$0x3FB2] =	sst s6  }
0xf: {  	[smem:$0x3FB3] =	sst s7  }
0x10: {  	[smem:$0x3FB4] =	sst s8  }
0x11: {  	[smem:$0x3FB5] =	sst s9;
	s0 =	simm.s32 @!p0 $0x0  }
0x12: {  	s1 =	sld [smem:$0x3F9B];
	s0 =	simm.s32 @p0 $0x1  }
0x13: {  	[smem:$0x3FB6] =	sst s0;
	s0 =	simm.s32 @!p1 $0x0  }
0x14: {  	s2 =	sld [smem:$0x3F9A];
	s0 =	simm.s32 @p1 $0x1  }
0x15: {  	[smem:$0x3FB7] =	sst s0;
	s0 =	simm.s32 @!p2 $0x0  }
0x16: {  	s3 =	sld [smem:$0x3FDB];
	s0 =	simm.s32 @p2 $0x1  }
0x17: {  	s4 =	simm.s32 $0x1BF5;
	[smem:$0x3FB9] =	sst s0  }
0x18: {  	s0 =	sld [smem:$0x3F9C];
	_ =	swait.ge [sflag:s4], $0x0  }
0x19: {  	s7 =	sld [smem:$0x3F9D]  }
0x1a: {  	s8 =	sadd.s32 $0xFFFFE003, lr  }
0x1b: {  	s9 =	sadd.s32 $0xFFFFFEF7, lr;
	s5 =	simm.s32 $0xFFFFFFFF;
	p2 =	slt.u32 s8, $0xFFFFF086  }
0x1c: {  	p1 =	slt.u32 s9, $0xF7A;
	s5 =	simm.s32 @!p2 $0x0  }
0x1d: {  	s5 =	simm.s32 @p1 $0x1;
	p0 =	seq.s32 s7, s2  }
0x1e: {  	s7 =	smul.u32 @!p0 $0xF7A, s2;
	p2 =	seq.s32 @!p0 s5, $0x0  }
0x1f: {  	s9 =	smul.u32 $0xF7A, s1;
	s8 =	simm.s32 @!p0 $0x1BF5;
	p2 =	por !p2, p0  }
0x20: {  	[sflag:s8] =	ssyncset.s32 @!p0 $0xFFFFF086;
	s6 =	sadd.s32 @!p0 s3, s7;
	s7 =	simm.s32 @!p0 $0x108  }
0x21: {  	s3 =	sadd.s32 s3, s9;
	s6 =	sadd.s32 @!p0 $0x88, s6;
	s7 =	simm.s32 @p2 $0x1082  }
0x22: {  	[simem:s7], [sflag:s8] =	dma.local @!p0 [hbm:s6], $0xF7A  }
0x23: {  	s9 =	sor.u32 $0xD0000000, s2;
	s6 =	simm.s32 $0x108;
	_ =	swait.ge @!p0 [sflag:s8], $0x0  }
0x24: {  	s3 =	sadd.s32 $0x88, s3;
	s6 =	simm.s32 @!p1 $0x1082;
	[sflag:s4] =	ssyncset.s32 $0xFFFFF086  }
0x25: {  	[simem:s6], [sflag:s4] =	dma.local [hbm:s3], $0xF7A  }
0x26: {  	[smem:$0x3F9D] =	sst s1;
	(tag) =	ssettag s2;
	_ =	strace s9  }
0x27: {  	s1 =	sld [smem:$0x3FAD]  }
0x28: {  	s2 =	sld [smem:$0x3FAE]  }
0x29: {  	s4 =	sld [smem:$0x3FB0]  }
0x2a: {  	p0 =	seq.s32 s5, $0x0;
	s5 =	sld [smem:$0x3FB1]  }
0x2b: {  	s6 =	sld [smem:$0x3FB2]  }
0x2c: {  	s7 =	sld [smem:$0x3FB3]  }
0x2d: {  	s3 =	simm.s32 $0x108;
	s8 =	sld [smem:$0x3FB4]  }
0x2e: {  	s3 =	simm.s32 @!p0 $0x1082;
	s9 =	sld [smem:$0x3FB5]  }
0x2f: {  	lr =	sadd.s32 s0, s3;
	s0 =	sld [smem:$0x3FAC]  }
0x30: {  	s3 =	sld [smem:$0x3FAF]  }
0x31: {  	[smem:$0x3FB8] =	sst s10  }
0x32: {  	s10 =	sld [smem:$0x3FB6];
	_ =	sdelay $0x3  }
0x33: {  	p0 =	seq.s32 s10, $0x1;
	s10 =	sld [smem:$0x3FB8];
	_ =	sdelay $0x3  }
0x34: {  	[smem:$0x3FB8] =	sst s10  }
0x35: {  	s10 =	sld [smem:$0x3FB7];
	_ =	sdelay $0x3  }
0x36: {  	p1 =	seq.s32 s10, $0x1;
	s10 =	sld [smem:$0x3FB8];
	_ =	sdelay $0x3  }
0x37: {  	[smem:$0x3FB8] =	sst s10  }
0x38: {  	s10 =	sld [smem:$0x3FB9]  }
0x39: {  	_ = 	snop;
	(pc) =	sbr.ind lr, $3  }
0x3a: {  	_ = 	snop  }
0x3b: {  	_ = 	snop  }
0x3c: {  	p2 =	seq.s32 s10, $0x1;
	s10 =	sld [smem:$0x3FB8]  }
0x3d: {  	_ =	shalt  }
0x3e: {  	_ =	shalt  }
0x3f: {  	_ =	shalt  }
0x40: {  	_ =	shalt  }
0x41: {  	_ =	shalt  }
0x42: {  	_ =	shalt  }
0x43: {  	_ =	shalt  }
0x44: {  	_ =	shalt  }
0x45: {  	_ =	shalt  }
0x46: {  	_ =	shalt  }
0x47: {  	_ =	shalt  }
0x48: {  	_ =	shalt  }
0x49: {  	_ =	shalt  }
0x4a: {  	_ =	shalt  }
0x4b: {  	_ =	shalt  }
0x4c: {  	_ =	shalt  }
0x4d: {  	_ =	shalt  }
0x4e: {  	_ =	shalt  }
0x4f: {  	_ =	shalt  }
0x50: {  	_ =	shalt  }
0x51: {  	_ =	shalt  }
0x52: {  	_ =	shalt  }
0x53: {  	_ =	shalt  }
0x54: {  	_ =	shalt  }
0x55: {  	_ =	shalt  }
0x56: {  	_ =	shalt  }
0x57: {  	_ =	shalt  }
0x58: {  	_ =	shalt  }
0x59: {  	_ =	shalt  }
0x5a: {  	_ =	shalt  }
0x5b: {  	_ =	shalt  }
0x5c: {  	_ =	shalt  }
0x5d: {  	_ =	shalt  }
0x5e: {  	_ =	shalt  }
0x5f: {  	_ =	shalt  }
0x60: {  	_ =	shalt  }
0x61: {  	_ =	shalt  }
0x62: {  	_ =	shalt  }
0x63: {  	_ =	shalt  }
0x64: {  	_ =	shalt  }
0x65: {  	_ =	shalt  }
0x66: {  	_ =	shalt  }
0x67: {  	_ =	shalt  }
0x68: {  	_ =	shalt  }
0x69: {  	_ =	shalt  }
0x6a: {  	_ =	shalt  }
0x6b: {  	_ =	shalt  }
0x6c: {  	_ =	shalt  }
0x6d: {  	_ =	shalt  }
0x6e: {  	_ =	shalt  }
0x6f: {  	_ =	shalt  }
0x70: {  	_ =	shalt  }
0x71: {  	_ =	shalt  }
0x72: {  	_ =	shalt  }
0x73: {  	_ =	shalt  }
0x74: {  	_ =	shalt  }
0x75: {  	_ =	shalt  }
0x76: {  	_ =	shalt  }
0x77: {  	_ =	shalt  }
0x78: {  	_ =	shalt  }
0x79: {  	_ =	shalt  }
0x7a: {  	_ =	shalt  }
0x7b: {  	_ =	shalt  }
0x7c: {  	_ =	shalt  }
0x7d: {  	_ =	shalt  }
0x7e: {  	_ =	shalt  }
0x7f: {  	_ =	shalt  }
0x80: {  	_ =	shalt  }
0x81: {  	_ =	shalt  }
0x82: {  	_ =	shalt  }
0x83: {  	_ =	shalt  }
0x84: {  	_ =	shalt  }
0x85: {  	_ =	shalt  }
0x86: {  	_ =	shalt  }
0x87: {  	_ =	shalt  }
.Lfunc_end0:
.L_simem_size_0:
called_computation_lowered:
.L_overlay_start_0:
0x88: {  	s2 =	sld [smem:$0x3FD9]  }
0x89: {  	s3 =	sld [smem:$0x3FFE];
	_ =	sdelay $0x1  }
0x8a: {  	s1 =	srdreg.scid  }
0x8b: {  	s0 =	sand.u32 $0x1, s1  }
0x8c: {  	s17 =	sshll.u32 s0, $0xA;
	s2 =	sadd.s32 s3, s2  }
0x8d: {  	s2 =	sadd.s32 s2, s17  }
0x8e: {  	[smem:$0x3FC4] =	sst s2  }
0x8f: {  	_ = 	snop  }
0x90: {  	s18 =	sld [smem:$0x3FD0];
	(tm) =	ssettm $0x1  }
0x91: {  	s19 =	sld [smem:$0x3FFB];
	_ =	sdelay $0x3  }
0x92: {  	_ =	strace s19  }
0x93: {  	s2 =	sld [smem:$0x3FFC];
	_ =	sdelay $0x3  }
0x94: {  	_ =	strace s2  }
0x95: {  	s2 =	sld [smem:$0x3FFD];
	_ =	sdelay $0x3  }
0x96: {  	_ =	strace s2  }
0x97: {  	_ =	strace $0x8FFFFFFF  }
0x98: {  	s20 =	sld [smem:$0x3FDB];
	_ =	sdelay $0x1  }
0x99: {  	s4 =	simm.s32 $_scs_section_size  }
0x9a: {  	s5 =	simm.s32 $_size__tile_overlayer_lowered;
	s6 =	simm.s32 $_tile_overlayer_lowered  }
0x9b: {  	s7 =	simm.s32 $0x1BFF;
	s21 =	sshll.u32 s6, $0x1;
	s4 =	sadd.s32 s4, s20  }
0x9c: {  	s22 =	simm.s32 $0x0;
	s5 =	sshll.u32 s5, $0x1;
	s6 =	sadd.s32 s21, s4  }
0x9d: {  	[timem:s22], [sflag:s7] =	dma.local [hbm:s6], s5  }
0x9e: {  	_ =	swait.ge [sflag:s7], s5  }
0x9f: {  	s5 =	ssub.s32 $0x0, s5;
	[sflag:s7] =	ssyncset.done $0x0  }
0xa0: {  	[sflag:s7] =	ssyncadd.s32 s5;
	_ =	sdelay $0x1  }
0xa1: {  	s23 =	simm.s32 $0x1B8B  }
0xa2: {  	_ =	swait.ge [sflag:s23], $0x1  }
0xa3: {  	[sflag:s23] =	ssyncset.done $0x0  }
0xa4: {  	[sflag:s23] =	ssyncadd.s32 $0xFFFFFFFF  }
0xa5: {  	s5 =	sld [smem:$0x0]  }
0xa6: {  	s6 =	sand.u32 $0xFFFFFFFE, s1  }
0xa7: {  	p0 =	sne.s32 s1, s6  }
0xa8: {  	s6 =	sshll.u32 @p0 s6, $0xE  }
0xa9: {  	s6 =	sadd.s32 @p0 $0x11B8D, s6;
	s7 =	sshll.u32 @p0 s5, $0x11  }
0xaa: {  	s6 =	sor.u32 @p0 s7, s6  }
0xab: {  	[sflag:s6] =	ssyncadd.remote.s32 @p0 $0x1;
	_ =	sdelay $0x1  }
0xac: {  	s6 =	simm.s32 @p0 $0x1B8D  }
0xad: {  	_ =	swait.eq @p0 [sflag:s6], $0x1  }
0xae: {  	[sflag:s6] =	ssyncadd.s32 @p0 $0xFFFFFFFF  }
0xaf: {  	s7 =	sshll.u32 @!p0 s1, $0xE  }
0xb0: {  	s7 =	sor.u32 @!p0 $0x4000, s7;
	s6 =	simm.s32 @!p0 $0x1B8D  }
0xb1: {  	s5 =	sshll.u32 @!p0 s5, $0x11;
	s7 =	sadd.s32 @!p0 $0x11B8D, s7;
	_ =	swait.eq @!p0 [sflag:s6], $0x1  }
0xb2: {  	s5 =	sor.u32 @!p0 s5, s7;
	[sflag:s6] =	ssyncadd.s32 @!p0 $0xFFFFFFFF  }
0xb3: {  	s25 =	simm.s32 $0x1B8E;
	s24 =	sld [smem:$0x3FFE];
	[sflag:s5] =	ssyncadd.remote.s32 @!p0 $0x1  }
0xb4: {  	s26 =	simm.s32 $execute0_lowered;
	[smem:$0x3FD2] =	sst s25  }
0xb5: {  	s6 =	sshll.u32 s26, $0x1;
	_ =	strace $0x80000049;
	[dreg:$0x1] =	wrdreg $0xFFFFFFFF  }
0xb6: {  	s28 =	simm.s32 $_size_execute0_lowered;
	s4 =	sadd.s32 s4, s6;
	[dreg:$0x0] =	wrdreg $0x0  }
0xb7: {  	s6 =	sshll.u32 s28, $0x1;
	[dreg:$0x2] =	wrdreg s4  }
0xb8: {  	[dreg:$0x3] =	wrdreg s6  }
0xb9: {  	[dreg:$0x4] =	wrdreg $0xC0  }
0xba: {  	_ =	task [dreg:s22], $0x5FFFF  }
0xbb: {  	[dreg:$0x1] =	wrdreg $0xFFFFFFFF  }
0xbc: {  	[dreg:$0x0] =	wrdreg $0x60  }
0xbd: {  	[dreg:$0x2] =	wrdreg s18  }
0xbe: {  	[dreg:$0x3] =	wrdreg s24  }
0xbf: {  	[dreg:$0x4] =	wrdreg $0x9  }
0xc0: {  	_ =	task.clear_ibuf [dreg:s22], $0x5FFFF;
	_ =	strace $0x90000049  }
0xc1: {  	s29 =	simm.s32 $0x9;
	_ =	strace $0x8000004B  }
0xc2: {  	_ =	swait.ge [sflag:s29], $0x1  }
0xc3: {  	[sflag:s29] =	ssyncadd.s32 $0xFFFFFFFF  }
0xc4: {  	_ =	strace $0x9000004B  }
0xc5: {  	_ =	sfence  }
0xc6: {  	s30 =	sld [smem:$0x0];
	_ =	sdelay $0x2  }
0xc7: {  	s31 =	sshll.u32 s1, $0xD;
	s1 =	sshrl.u32 s1, $0x2  }
0xc8: {  	s4 =	sand.u32 $0x4000, s31;
	s1 =	sadd.s32 s1, s30  }
0xc9: {  	s0 =	sor.u32 s4, s0;
	s1 =	sshll.u32 s1, $0x11  }
0xca: {  	s0 =	sor.u32 s1, s0  }
0xcb: {  	s0 =	sadd.s32 $0x8F2B, s0  }
0xcc: {  	[sflag:s0] =	ssyncadd.remote.s32 $0x1  }
0xcd: {  	_ =	sfence.sel $0xFFFF  }
0xce: {  	[dreg:$0x0] =	wrdreg $0xFFFFFFFF;
	(pc) =	sbr.abs _section_cstart, $3  }
0xcf: {  	[dreg:$0x1] =	wrdreg $0xFFFFFFFF  }
0xd0: {  	_ =	task.clear_ibuf [dreg:s22], $0x2FFFF;
	_ =	strace $0x9FFFFFFF  }
0xd1: {  	(tm) =	ssettm $0x7FFFFFFF  }
tec
execute0_lowered:
.L_overlay_start_1:
0x0: {  	(tag) =	ssettag $0x1  }
0x1: {  	s6 =	rddreg [dreg:$0x0]  }
0x2: {  	s9 =	rddreg [dreg:$0x1]  }
0x3: {  	s0 =	rddreg [dreg:$0x2];
	s2 =	simm.s32 $0x0;
	s4 =	srdreg.scid  }
0x4: {  	s1 =	stileid.u32;
	s5 =	simm.s32 $0x2;
	s13 =	simm.s32 $0x5800  }
0x5: {  	[smem:$0x7FF] =	sst s2;
	s3 =	sadd.s32 $0x1000, s9;
	s10 =	sand.u32 $0x1, s4  }
0x6: {  	s7 =	sshll.u32 s1, $0xD;
	s4 =	simm.s32 $0x800;
	_ =	strace $0x8000004A  }
0x7: {  	[tilespmem:s4], [sflag:$0x2] =	stream.linear.gather [hbm4b:s3+s2], $0x1000, $0x38;
	[tilespmem:$0x9800] =	vst v63  }
0x8: {  	s8 =	sshll.u32 s10, $0xC;
	s14 =	ssub.s32 $0x2, s10;
	_ =	swait.ge [sflag:s5], $0x1000  }
0x9: {  	s11 =	sor.u32 s8, s7;
	s7 =	simm.s32 $0x8;
	[sflag:s5] =	ssyncset.done $0x0  }
0xa: {  	s8 =	simm.s32 $0x80;
	s6 =	sadd.s32 s6, s11;
	[sflag:s5] =	ssyncadd.s32 $0xFFFFF000  }
0xb: {  	[tilespmem:s2], [sflag:$0x2] =	stream.strided.gather [hbm4b:s6+s7], $0x800, s8, s7, $0x38;
	[tilespmem:$0x9800] =	vst v63  }
0xc: {  	s10 =	simm.s32 $0x1800;
	s15 =	sshrl.u32 s14, $0x1;
	_ =	swait.ge [sflag:s5], $0x800  }
0xd: {  	s11 =	sadd.s32 s11, s9;
	s14 =	ssub.s32 s14, s15;
	[sflag:s5] =	ssyncset.done $0x0  }
0xe: {  	s9 =	sadd.s32 $0x21200, s11;
	s14 =	smax.u32 s14, $0x1;
	[sflag:s5] =	ssyncadd.s32 $0xFFFFF800  }
0xf: {  	[hbm4b:s9+s2] =	stream.linear.scatter [tilespmem:s10], [sflag:$0x1], $0x4000, $0x38;
	[tilespmem:$0x9800] =	vst v63  }
0x10: {  	s12 =	simm.s32 $0x1;
	s11 =	sadd.s32 $0x21A00, s11;
	p0 =	sne.s32 s14, $0x1  }
0x11: {  	[hbm4b:s11+s2] =	stream.linear.scatter [tilespmem:s13], [sflag:$0x1], $0x4000, $0x38;
	[tilespmem:$0x9800] =	vst v63  }
.Ltmp0:
0x12: {  	_ =	swait.ge [sflag:s12], $0x4000;
	(pc) =	sbr.rel @!p0 .LBB2_2-.Ltmp0, $4  }
0x13: {  	[sflag:s12] =	ssyncset.done $0x0  }
0x14: {  	[sflag:s12] =	ssyncadd.s32 $0xFFFFC000  }
0x15: {  	_ =	swait.ge [sflag:s12], $0x4000  }
0x16: {  	s14 =	sadd.s32 $0xFFFFFFFF, s14;
	[sflag:s12] =	ssyncset.done $0x0  }
.LBB2_1:
0x17: {  	p0 =	sne.s32 s14, $0x1;
	s14 =	sadd.s32 $0xFFFFFFFF, s14;
	[sflag:s12] =	ssyncadd.s32 $0xFFFFC000  }
0x18: {  	[tilespmem:s4], [sflag:$0x2] =	stream.linear.gather [hbm4b:s3+s2], $0x1000, $0x38;
	[tilespmem:$0x9800] =	vst v63  }
0x19: {  	_ =	swait.ge [sflag:s5], $0x1000  }
0x1a: {  	[sflag:s5] =	ssyncset.done $0x0  }
0x1b: {  	[sflag:s5] =	ssyncadd.s32 $0xFFFFF000  }
0x1c: {  	[tilespmem:s2], [sflag:$0x2] =	stream.strided.gather [hbm4b:s6+s7], $0x800, s8, s7, $0x38;
	[tilespmem:$0x9800] =	vst v63  }
0x1d: {  	_ =	swait.ge [sflag:s5], $0x800  }
0x1e: {  	[sflag:s5] =	ssyncset.done $0x0  }
0x1f: {  	[sflag:s5] =	ssyncadd.s32 $0xFFFFF800  }
0x20: {  	[hbm4b:s9+s2] =	stream.linear.scatter [tilespmem:s10], [sflag:$0x1], $0x4000, $0x38;
	[tilespmem:$0x9800] =	vst v63  }
0x21: {  	_ = 	snop  }
0x22: {  	[hbm4b:s11+s2] =	stream.linear.scatter [tilespmem:s13], [sflag:$0x1], $0x4000, $0x38;
	[tilespmem:$0x9800] =	vst v63  }
.Ltmp1:
0x23: {  	_ =	swait.ge [sflag:s12], $0x4000;
	(pc) =	sbr.rel @p0 .LBB2_1-.Ltmp1, $4  }
0x24: {  	[sflag:s12] =	ssyncset.done $0x0  }
0x25: {  	[sflag:s12] =	ssyncadd.s32 $0xFFFFC000  }
0x26: {  	_ =	swait.ge [sflag:s12], $0x4000  }
0x27: {  	[sflag:s12] =	ssyncset.done $0x0  }
.LBB2_2:
0x28: {  	[sflag:s12] =	ssyncadd.s32 $0xFFFFC000  }
0x29: {  	_ =	sfence.sel $0x180000  }
0x2a: {  	[bflag:$0x0] =	sbarrier.arrive $0xFFFF  }
0x2b: {  	p0 =	sne.s32 s1, $0x0;
	_ =	strace $0x9000004A  }
0x2c: {  	s0 =	sadd.s32 @!p0 $0x100000, s0;
	[bflag:$0x2] =	sbarrier.arrive $0xFFFF  }
0x2d: {  	[sflag:s0] =	ssyncadd.tile.s32 @!p0 $0x1;
	_ =	shalt  }
.Lfunc_end2:
_tile_overlayer_lowered:
.L_overlay_start_2:
0x2e: {  	(tag) =	ssettag $0x2  }
0x2f: {  	s0 =	rddreg [dreg:$0x0];
	s2 =	stileid.u32  }
0x30: {  	s1 =	rddreg [dreg:$0x1];
	p0 =	sne.s32 s2, $0x0  }
0x31: {  	s3 =	rddreg [dreg:$0x2];
	[bflag:$0x3] =	sbarrier.arrive $0xFFFF;
	s2 =	simm.s32 @!p0 $0x1C02  }
0x32: {  	[timem:s3], [sflag:s2] =	dma.local @!p0 [hbm:s0], s1  }
0x33: {  	s0 =	simm.s32 @!p0 $0x2  }
0x34: {  	_ =	swait.ge @!p0 [sflag:s0], s1  }
0x35: {  	s1 =	ssub.s32 @!p0 $0x0, s1;
	[sflag:s0] =	ssyncset.done @!p0 $0x0  }
0x36: {  	[sflag:s0] =	ssyncadd.s32 @!p0 s1  }
0x37: {  	[bflag:$0x3] =	sbarrier.arrive $0xFFFF  }
0x38: {  	_ =	shalt  }

// kernel: kernel.8.cloned.1.call-start
scs
__scs_entry_jumppad:
0x0: {  	(pc) =	sbr.rel $0x88, $3  }
0x1: {  	(tag) =	ssettag $0x0;
	lr =	simm.s32 $0x1  }
0x2: {  	[smem:$0x3F9D] =	sst lr;
	_ =	strace $0xD0000000  }
0x3: {  	_ = 	snop  }
0x4: {  	_ = 	snop  }
0x5: {  	_ = 	snop  }
0x6: {  	_ = 	snop  }
0x7: {  	_ = 	snop  }
__scs_overlays_trampoline_lowered:
0x8: {  	[smem:$0x3FAC] =	sst s0  }
0x9: {  	[smem:$0x3FAD] =	sst s1  }
0xa: {  	[smem:$0x3FAE] =	sst s2  }
0xb: {  	[smem:$0x3FAF] =	sst s3  }
0xc: {  	[smem:$0x3FB0] =	sst s4  }
0xd: {  	[smem:$0x3FB1] =	sst s5  }
0xe: {  	[smem:$0x3FB2] =	sst s6  }
0xf: {  	[smem:$0x3FB3] =	sst s7  }
0x10: {  	[smem:$0x3FB4] =	sst s8  }
0x11: {  	[smem:$0x3FB5] =	sst s9;
	s0 =	simm.s32 @!p0 $0x0  }
0x12: {  	s1 =	sld [smem:$0x3F9B];
	s0 =	simm.s32 @p0 $0x1  }
0x13: {  	[smem:$0x3FB6] =	sst s0;
	s0 =	simm.s32 @!p1 $0x0  }
0x14: {  	s2 =	sld [smem:$0x3F9A];
	s0 =	simm.s32 @p1 $0x1  }
0x15: {  	[smem:$0x3FB7] =	sst s0;
	s0 =	simm.s32 @!p2 $0x0  }
0x16: {  	s3 =	sld [smem:$0x3FDB];
	s0 =	simm.s32 @p2 $0x1  }
0x17: {  	s4 =	simm.s32 $0x1BF5;
	[smem:$0x3FB9] =	sst s0  }
0x18: {  	s0 =	sld [smem:$0x3F9C];
	_ =	swait.ge [sflag:s4], $0x0  }
0x19: {  	s7 =	sld [smem:$0x3F9D]  }
0x1a: {  	s8 =	sadd.s32 $0xFFFFE003, lr  }
0x1b: {  	s9 =	sadd.s32 $0xFFFFFEF7, lr;
	s5 =	simm.s32 $0xFFFFFFFF;
	p2 =	slt.u32 s8, $0xFFFFF086  }
0x1c: {  	p1 =	slt.u32 s9, $0xF7A;
	s5 =	simm.s32 @!p2 $0x0  }
0x1d: {  	s5 =	simm.s32 @p1 $0x1;
	p0 =	seq.s32 s7, s2  }
0x1e: {  	s7 =	smul.u32 @!p0 $0xF7A, s2;
	p2 =	seq.s32 @!p0 s5, $0x0  }
0x1f: {  	s9 =	smul.u32 $0xF7A, s1;
	s8 =	simm.s32 @!p0 $0x1BF5;
	p2 =	por !p2, p0  }
0x20: {  	[sflag:s8] =	ssyncset.s32 @!p0 $0xFFFFF086;
	s6 =	sadd.s32 @!p0 s3, s7;
	s7 =	simm.s32 @!p0 $0x108  }
0x21: {  	s3 =	sadd.s32 s3, s9;
	s6 =	sadd.s32 @!p0 $0x88, s6;
	s7 =	simm.s32 @p2 $0x1082  }
0x22: {  	[simem:s7], [sflag:s8] =	dma.local @!p0 [hbm:s6], $0xF7A  }
0x23: {  	s9 =	sor.u32 $0xD0000000, s2;
	s6 =	simm.s32 $0x108;
	_ =	swait.ge @!p0 [sflag:s8], $0x0  }
0x24: {  	s3 =	sadd.s32 $0x88, s3;
	s6 =	simm.s32 @!p1 $0x1082;
	[sflag:s4] =	ssyncset.s32 $0xFFFFF086  }
0x25: {  	[simem:s6], [sflag:s4] =	dma.local [hbm:s3], $0xF7A  }
0x26: {  	[smem:$0x3F9D] =	sst s1;
	(tag) =	ssettag s2;
	_ =	strace s9  }
0x27: {  	s1 =	sld [smem:$0x3FAD]  }
0x28: {  	s2 =	sld [smem:$0x3FAE]  }
0x29: {  	s4 =	sld [smem:$0x3FB0]  }
0x2a: {  	p0 =	seq.s32 s5, $0x0;
	s5 =	sld [smem:$0x3FB1]  }
0x2b: {  	s6 =	sld [smem:$0x3FB2]  }
0x2c: {  	s7 =	sld [smem:$0x3FB3]  }
0x2d: {  	s3 =	simm.s32 $0x108;
	s8 =	sld [smem:$0x3FB4]  }
0x2e: {  	s3 =	simm.s32 @!p0 $0x1082;
	s9 =	sld [smem:$0x3FB5]  }
0x2f: {  	lr =	sadd.s32 s0, s3;
	s0 =	sld [smem:$0x3FAC]  }
0x30: {  	s3 =	sld [smem:$0x3FAF]  }
0x31: {  	[smem:$0x3FB8] =	sst s10  }
0x32: {  	s10 =	sld [smem:$0x3FB6];
	_ =	sdelay $0x3  }
0x33: {  	p0 =	seq.s32 s10, $0x1;
	s10 =	sld [smem:$0x3FB8];
	_ =	sdelay $0x3  }
0x34: {  	[smem:$0x3FB8] =	sst s10  }
0x35: {  	s10 =	sld [smem:$0x3FB7];
	_ =	sdelay $0x3  }
0x36: {  	p1 =	seq.s32 s10, $0x1;
	s10 =	sld [smem:$0x3FB8];
	_ =	sdelay $0x3  }
0x37: {  	[smem:$0x3FB8] =	sst s10  }
0x38: {  	s10 =	sld [smem:$0x3FB9]  }
0x39: {  	_ = 	snop;
	(pc) =	sbr.ind lr, $3  }
0x3a: {  	_ = 	snop  }
0x3b: {  	_ = 	snop  }
0x3c: {  	p2 =	seq.s32 s10, $0x1;
	s10 =	sld [smem:$0x3FB8]  }
0x3d: {  	_ =	shalt  }
0x3e: {  	_ =	shalt  }
0x3f: {  	_ =	shalt  }
0x40: {  	_ =	shalt  }
0x41: {  	_ =	shalt  }
0x42: {  	_ =	shalt  }
0x43: {  	_ =	shalt  }
0x44: {  	_ =	shalt  }
0x45: {  	_ =	shalt  }
0x46: {  	_ =	shalt  }
0x47: {  	_ =	shalt  }
0x48: {  	_ =	shalt  }
0x49: {  	_ =	shalt  }
0x4a: {  	_ =	shalt  }
0x4b: {  	_ =	shalt  }
0x4c: {  	_ =	shalt  }
0x4d: {  	_ =	shalt  }
0x4e: {  	_ =	shalt  }
0x4f: {  	_ =	shalt  }
0x50: {  	_ =	shalt  }
0x51: {  	_ =	shalt  }
0x52: {  	_ =	shalt  }
0x53: {  	_ =	shalt  }
0x54: {  	_ =	shalt  }
0x55: {  	_ =	shalt  }
0x56: {  	_ =	shalt  }
0x57: {  	_ =	shalt  }
0x58: {  	_ =	shalt  }
0x59: {  	_ =	shalt  }
0x5a: {  	_ =	shalt  }
0x5b: {  	_ =	shalt  }
0x5c: {  	_ =	shalt  }
0x5d: {  	_ =	shalt  }
0x5e: {  	_ =	shalt  }
0x5f: {  	_ =	shalt  }
0x60: {  	_ =	shalt  }
0x61: {  	_ =	shalt  }
0x62: {  	_ =	shalt  }
0x63: {  	_ =	shalt  }
0x64: {  	_ =	shalt  }
0x65: {  	_ =	shalt  }
0x66: {  	_ =	shalt  }
0x67: {  	_ =	shalt  }
0x68: {  	_ =	shalt  }
0x69: {  	_ =	shalt  }
0x6a: {  	_ =	shalt  }
0x6b: {  	_ =	shalt  }
0x6c: {  	_ =	shalt  }
0x6d: {  	_ =	shalt  }
0x6e: {  	_ =	shalt  }
0x6f: {  	_ =	shalt  }
0x70: {  	_ =	shalt  }
0x71: {  	_ =	shalt  }
0x72: {  	_ =	shalt  }
0x73: {  	_ =	shalt  }
0x74: {  	_ =	shalt  }
0x75: {  	_ =	shalt  }
0x76: {  	_ =	shalt  }
0x77: {  	_ =	shalt  }
0x78: {  	_ =	shalt  }
0x79: {  	_ =	shalt  }
0x7a: {  	_ =	shalt  }
0x7b: {  	_ =	shalt  }
0x7c: {  	_ =	shalt  }
0x7d: {  	_ =	shalt  }
0x7e: {  	_ =	shalt  }
0x7f: {  	_ =	shalt  }
0x80: {  	_ =	shalt  }
0x81: {  	_ =	shalt  }
0x82: {  	_ =	shalt  }
0x83: {  	_ =	shalt  }
0x84: {  	_ =	shalt  }
0x85: {  	_ =	shalt  }
0x86: {  	_ =	shalt  }
0x87: {  	_ =	shalt  }
.Lfunc_end0:
.L_simem_size_0:
called_computation.1_lowered:
.L_overlay_start_0:
0x88: {  	s2 =	sld [smem:$0x3FD9]  }
0x89: {  	s3 =	sld [smem:$0x3FFE];
	_ =	sdelay $0x1  }
0x8a: {  	s1 =	srdreg.scid  }
0x8b: {  	s0 =	sand.u32 $0x1, s1  }
0x8c: {  	s17 =	sshll.u32 s0, $0xA;
	s2 =	sadd.s32 s3, s2  }
0x8d: {  	s2 =	sadd.s32 s2, s17  }
0x8e: {  	[smem:$0x3FC4] =	sst s2  }
0x8f: {  	_ = 	snop  }
0x90: {  	s2 =	sld [smem:$0x3FD0];
	(tm) =	ssettm $0x1  }
0x91: {  	s18 =	sld [smem:$0x3FFB];
	_ =	sdelay $0x3  }
0x92: {  	_ =	strace s18  }
0x93: {  	s3 =	sld [smem:$0x3FFC];
	_ =	sdelay $0x3  }
0x94: {  	_ =	strace s3  }
0x95: {  	s3 =	sld [smem:$0x3FFD];
	_ =	sdelay $0x3  }
0x96: {  	_ =	strace s3  }
0x97: {  	_ =	strace $0x8FFFFFFF  }
0x98: {  	s19 =	sld [smem:$0x3FDB];
	_ =	sdelay $0x1  }
0x99: {  	s4 =	simm.s32 $_scs_section_size  }
0x9a: {  	s5 =	simm.s32 $_size__tile_overlayer_lowered;
	s6 =	simm.s32 $_tile_overlayer_lowered  }
0x9b: {  	s22 =	simm.s32 $0x1BFF;
	s21 =	sshll.u32 s6, $0x1;
	s3 =	sadd.s32 s4, s19  }
0x9c: {  	s7 =	simm.s32 $0x0;
	s20 =	sshll.u32 s5, $0x1;
	s5 =	sadd.s32 s21, s3  }
0x9d: {  	[timem:s7], [sflag:s22] =	dma.local [hbm:s5], s20  }
0x9e: {  	_ =	swait.ge [sflag:s22], s20  }
0x9f: {  	s4 =	ssub.s32 $0x0, s20;
	[sflag:s22] =	ssyncset.done $0x0  }
0xa0: {  	[sflag:s22] =	ssyncadd.s32 s4;
	_ =	sdelay $0x1  }
0xa1: {  	s23 =	simm.s32 $0x1B8B  }
0xa2: {  	_ =	swait.ge [sflag:s23], $0x1  }
0xa3: {  	[sflag:s23] =	ssyncset.done $0x0  }
0xa4: {  	s25 =	simm.s32 $0x1B8E;
	s24 =	sld [smem:$0x3FFE];
	[sflag:s23] =	ssyncadd.s32 $0xFFFFFFFF  }
0xa5: {  	s26 =	simm.s32 $execute0_lowered;
	[smem:$0x3FD2] =	sst s25  }
0xa6: {  	s5 =	sshll.u32 s26, $0x1;
	_ =	strace $0x80000046;
	[dreg:$0x1] =	wrdreg $0xFFFFFFFF  }
0xa7: {  	s28 =	simm.s32 $_size_execute0_lowered;
	s3 =	sadd.s32 s3, s5;
	[dreg:$0x0] =	wrdreg $0x0  }
0xa8: {  	s5 =	sshll.u32 s28, $0x1;
	[dreg:$0x2] =	wrdreg s3  }
0xa9: {  	[dreg:$0x3] =	wrdreg s5  }
0xaa: {  	[dreg:$0x4] =	wrdreg $0xC0  }
0xab: {  	_ =	task [dreg:s7], $0x5FFFF  }
0xac: {  	[dreg:$0x1] =	wrdreg $0xFFFFFFFF  }
0xad: {  	[dreg:$0x0] =	wrdreg $0x60  }
0xae: {  	[dreg:$0x2] =	wrdreg s2  }
0xaf: {  	[dreg:$0x3] =	wrdreg s24  }
0xb0: {  	[dreg:$0x4] =	wrdreg $0xA  }
0xb1: {  	_ =	task.clear_ibuf [dreg:s7], $0x5FFFF;
	_ =	strace $0x90000046  }
0xb2: {  	s29 =	simm.s32 $0xA;
	_ =	strace $0x80000048  }
0xb3: {  	_ =	swait.ge [sflag:s29], $0x1  }
0xb4: {  	[sflag:s29] =	ssyncadd.s32 $0xFFFFFFFF  }
0xb5: {  	_ =	strace $0x90000048  }
0xb6: {  	_ =	sfence  }
0xb7: {  	s30 =	sld [smem:$0x0];
	_ =	sdelay $0x2  }
0xb8: {  	s31 =	sshll.u32 s1, $0xD;
	s1 =	sshrl.u32 s1, $0x2  }
0xb9: {  	s3 =	sand.u32 $0x4000, s31;
	s1 =	sadd.s32 s1, s30  }
0xba: {  	s0 =	sor.u32 s3, s0;
	s1 =	sshll.u32 s1, $0x11  }
0xbb: {  	s0 =	sor.u32 s1, s0  }
0xbc: {  	s0 =	sadd.s32 $0x8F2B, s0  }
0xbd: {  	[sflag:s0] =	ssyncadd.remote.s32 $0x1  }
0xbe: {  	_ =	sfence.sel $0xFFFF  }
0xbf: {  	[dreg:$0x0] =	wrdreg $0xFFFFFFFF;
	(pc) =	sbr.abs _section_cstart, $3  }
0xc0: {  	[dreg:$0x1] =	wrdreg $0xFFFFFFFF  }
0xc1: {  	_ =	task.clear_ibuf [dreg:s7], $0x2FFFF;
	_ =	strace $0x9FFFFFFF  }
0xc2: {  	(tm) =	ssettm $0x7FFFFFFF  }
0xc3: {  	_ =	shalt  }
tec
execute0_lowered:
.L_overlay_start_1:
0x0: {  	(tag) =	ssettag $0x1  }
0x1: {  	s6 =	rddreg [dreg:$0x0]  }
0x2: {  	s9 =	rddreg [dreg:$0x1]  }
0x3: {  	s0 =	rddreg [dreg:$0x2]  }
0x4: {  	s2 =	simm.s32 $0x0;
	s3 =	srdreg.scid;
	s1 =	stileid.u32  }
0x5: {  	[smem:$0x7FF] =	sst s2;
	s10 =	sand.u32 $0x1, s3;
	s3 =	sadd.s32 $0x1000, s9  }
0x6: {  	s4 =	sshll.u32 s1, $0xD;
	_ =	strace $0x80000047;
	s5 =	sshll.u32 s10, $0xC  }
0x7: {  	s11 =	sor.u32 s5, s4;
	s4 =	simm.s32 $0x800;
	s5 =	simm.s32 $0x2  }
0x8: {  	[tilespmem:s4], [sflag:$0x2] =	stream.linear.gather [hbm4b:s3+s2], $0x1000, $0x38;
	[tilespmem:$0x9800] =	vst v63  }
0x9: {  	s7 =	simm.s32 $0x8;
	s8 =	simm.s32 $0x80;
	_ =	swait.ge [sflag:s5], $0x1000  }
0xa: {  	s13 =	simm.s32 $0x5800;
	s6 =	sadd.s32 s11, s6;
	[sflag:s5] =	ssyncset.done $0x0  }
0xb: {  	s14 =	ssub.s32 $0x2, s10;
	s6 =	sadd.s32 $0x20000, s6;
	[sflag:s5] =	ssyncadd.s32 $0xFFFFF000  }
0xc: {  	[tilespmem:s2], [sflag:$0x2] =	stream.strided.gather [hbm4b:s6+s7], $0x800, s8, s7, $0x38;
	[tilespmem:$0x9800] =	vst v63  }
0xd: {  	s10 =	simm.s32 $0x1800;
	s15 =	sshrl.u32 s14, $0x1;
	_ =	swait.ge [sflag:s5], $0x800  }
0xe: {  	s11 =	sadd.s32 s11, s9;
	s14 =	ssub.s32 s14, s15;
	[sflag:s5] =	ssyncset.done $0x0  }
0xf: {  	s9 =	sadd.s32 $0x1200, s11;
	s14 =	smax.u32 s14, $0x1;
	[sflag:s5] =	ssyncadd.s32 $0xFFFFF800  }
0x10: {  	[hbm4b:s9+s2] =	stream.linear.scatter [tilespmem:s10], [sflag:$0x1], $0x4000, $0x38;
	[tilespmem:$0x9800] =	vst v63  }
0x11: {  	s12 =	simm.s32 $0x1;
	s11 =	sadd.s32 $0x1A00, s11;
	p0 =	sne.s32 s14, $0x1  }
0x12: {  	[hbm4b:s11+s2] =	stream.linear.scatter [tilespmem:s13], [sflag:$0x1], $0x4000, $0x38;
	[tilespmem:$0x9800] =	vst v63  }
.Ltmp0:
0x13: {  	_ =	swait.ge [sflag:s12], $0x4000;
	(pc) =	sbr.rel @!p0 .LBB2_2-.Ltmp0, $4  }
0x14: {  	[sflag:s12] =	ssyncset.done $0x0  }
0x15: {  	[sflag:s12] =	ssyncadd.s32 $0xFFFFC000  }
0x16: {  	_ =	swait.ge [sflag:s12], $0x4000  }
0x17: {  	s14 =	sadd.s32 $0xFFFFFFFF, s14;
	[sflag:s12] =	ssyncset.done $0x0  }
.LBB2_1:
0x18: {  	p0 =	sne.s32 s14, $0x1;
	s14 =	sadd.s32 $0xFFFFFFFF, s14;
	[sflag:s12] =	ssyncadd.s32 $0xFFFFC000  }
0x19: {  	[tilespmem:s4], [sflag:$0x2] =	stream.linear.gather [hbm4b:s3+s2], $0x1000, $0x38;
	[tilespmem:$0x9800] =	vst v63  }
0x1a: {  	_ =	swait.ge [sflag:s5], $0x1000  }
0x1b: {  	[sflag:s5] =	ssyncset.done $0x0  }
0x1c: {  	[sflag:s5] =	ssyncadd.s32 $0xFFFFF000  }
0x1d: {  	[tilespmem:s2], [sflag:$0x2] =	stream.strided.gather [hbm4b:s6+s7], $0x800, s8, s7, $0x38;
	[tilespmem:$0x9800] =	vst v63  }
0x1e: {  	_ =	swait.ge [sflag:s5], $0x800  }
0x1f: {  	[sflag:s5] =	ssyncset.done $0x0  }
0x20: {  	[sflag:s5] =	ssyncadd.s32 $0xFFFFF800  }
0x21: {  	[hbm4b:s9+s2] =	stream.linear.scatter [tilespmem:s10], [sflag:$0x1], $0x4000, $0x38;
	[tilespmem:$0x9800] =	vst v63  }
0x22: {  	_ = 	snop  }
0x23: {  	[hbm4b:s11+s2] =	stream.linear.scatter [tilespmem:s13], [sflag:$0x1], $0x4000, $0x38;
	[tilespmem:$0x9800] =	vst v63  }
.Ltmp1:
0x24: {  	_ =	swait.ge [sflag:s12], $0x4000;
	(pc) =	sbr.rel @p0 .LBB2_1-.Ltmp1, $4  }
0x25: {  	[sflag:s12] =	ssyncset.done $0x0  }
0x26: {  	[sflag:s12] =	ssyncadd.s32 $0xFFFFC000  }
0x27: {  	_ =	swait.ge [sflag:s12], $0x4000  }
0x28: {  	[sflag:s12] =	ssyncset.done $0x0  }
.LBB2_2:
0x29: {  	[sflag:s12] =	ssyncadd.s32 $0xFFFFC000  }
0x2a: {  	_ =	sfence.sel $0x180000  }
0x2b: {  	[bflag:$0x0] =	sbarrier.arrive $0xFFFF  }
0x2c: {  	p0 =	sne.s32 s1, $0x0;
	_ =	strace $0x90000047  }
0x2d: {  	s0 =	sadd.s32 @!p0 $0x100000, s0;
	[bflag:$0x2] =	sbarrier.arrive $0xFFFF  }
0x2e: {  	[sflag:s0] =	ssyncadd.tile.s32 @!p0 $0x1;
	_ =	shalt  }
.Lfunc_end2:
_tile_overlayer_lowered:
.L_overlay_start_2:
0x2f: {  	(tag) =	ssettag $0x2  }
0x30: {  	s0 =	rddreg [dreg:$0x0];
	s2 =	stileid.u32  }
0x31: {  	s1 =	rddreg [dreg:$0x1];
	p0 =	sne.s32 s2, $0x0  }
0x32: {  	s3 =	rddreg [dreg:$0x2];
	[bflag:$0x3] =	sbarrier.arrive $0xFFFF;
	s2 =	simm.s32 @!p0 $0x1C02  }
0x33: {  	[timem:s3], [sflag:s2] =	dma.local @!p0 [hbm:s0], s1  }
0x34: {  	s0 =	simm.s32 @!p0 $0x2  }
0x35: {  	_ =	swait.ge @!p0 [sflag:s0], s1  }
0x36: {  	s1 =	ssub.s32 @!p0 $0x0, s1;
	[sflag:s0] =	ssyncset.done @!p0 $0x0  }
0x37: {  	[sflag:s0] =	ssyncadd.s32 @!p0 s1  }
0x38: {  	[bflag:$0x3] =	sbarrier.arrive $0xFFFF  }
0x39: {  	_ =	shalt  }

</sc_bundles>
